<compile_context>
chip_gen: v7x
topology: tpu7x:2x2x1
jax: 0.10.2.dev20260603
libtpu: 0.0.44.dev20260713+nightly
codegen_flags: <defaults>
</compile_context>

<pallas_src>
import functools

import jax
import jax.numpy as jnp
from jax import lax
from jax.experimental import pallas as pl
from jax.experimental.pallas import tpu as pltpu
from jax.experimental.pallas import tpu_sc as plsc

B, F, V, D = 16384, 26, 100000, 32
IN_DIM = F * D
EPS = 1e-5
INV = 1.0 / (1.0 + EPS) ** 0.5

NC, NS = 2, 16
NW = NC * NS
N = B * F
ROWS_PER_W = N // NW
CHUNK = 1664
NCHUNK = ROWS_PER_W // CHUNK


def _gather_body(idx_hbm, table_hbm, out_hbm, idx_v, rows_v, sem):
    wid = lax.axis_index("s") * NC + lax.axis_index("c")
    base = wid * ROWS_PER_W

    def step(i, carry):
        off = base + i * CHUNK
        pltpu.sync_copy(idx_hbm.at[pl.ds(off, CHUNK)], idx_v)
        pltpu.async_copy(table_hbm.at[idx_v], rows_v, sem).wait()
        pltpu.sync_copy(rows_v, out_hbm.at[pl.ds(off, CHUNK)])
        return carry

    lax.fori_loop(0, NCHUNK, step, 0)


@functools.cache
def _sc_gather():
    return pl.kernel(
        _gather_body,
        out_type=jax.ShapeDtypeStruct((N, D), jnp.float32),
        mesh=plsc.VectorSubcoreMesh(
            core_axis_name="c", subcore_axis_name="s",
            num_cores=NC, num_subcores=NS,
        ),
        scratch_types=[
            pltpu.VMEM((CHUNK,), jnp.int32),
            pltpu.VMEM((CHUNK, D), jnp.float32),
            pltpu.SemaphoreType.DMA,
        ],
        compiler_params=pltpu.CompilerParams(use_tc_tiling_on_sc=False),
    )


def _mlp_body(h_ref, w0, b0, g0, be0, w1, b1, g1, be1, w2, b2, g2, be2, wo, bo,
              out_ref):
    h = h_ref[...]
    z = jnp.dot(h, w0[...], preferred_element_type=jnp.float32) + b0[...]
    z = jnp.maximum(z, 0.0) * (g0[...] * INV) + be0[...]
    z = jnp.dot(z, w1[...], preferred_element_type=jnp.float32) + b1[...]
    z = jnp.maximum(z, 0.0) * (g1[...] * INV) + be1[...]
    z = jnp.dot(z, w2[...], preferred_element_type=jnp.float32) + b2[...]
    z = jnp.maximum(z, 0.0) * (g2[...] * INV) + be2[...]
    o = jnp.dot(z, wo[...], preferred_element_type=jnp.float32) + bo[...]
    out_ref[...] = jax.nn.sigmoid(o)


BT = 1024


def _mlp(h, W0T, b0, g0, be0, W1T, b1, g1, be1, W2T, b2, g2, be2, WoT, bout):
    full = lambda shape: pl.BlockSpec(shape, lambda i: (0,) * len(shape))
    return pl.pallas_call(
        _mlp_body,
        grid=(B // BT,),
        in_specs=[
            pl.BlockSpec((BT, IN_DIM), lambda i: (i, 0)),
            full(W0T.shape), full(b0.shape), full(g0.shape), full(be0.shape),
            full(W1T.shape), full(b1.shape), full(g1.shape), full(be1.shape),
            full(W2T.shape), full(b2.shape), full(g2.shape), full(be2.shape),
            full(WoT.shape), full(bout.shape),
        ],
        out_specs=pl.BlockSpec((BT, 1), lambda i: (i, 0)),
        out_shape=jax.ShapeDtypeStruct((B, 1), jnp.float32),
    )(h, W0T, b0, g0, be0, W1T, b1, g1, be1, W2T, b2, g2, be2, WoT, bout)


def kernel(x, emb_tables, W0, b0, g0, be0, W1, b1, g1, be1, W2, b2, g2, be2,
           Wout, bout):
    flat_idx = (x + jnp.arange(F, dtype=jnp.int32)[None, :] * V).reshape(N)
    table = emb_tables.reshape(F * V, D)
    rows = _sc_gather()(flat_idx, table)
    h = rows.reshape(B, IN_DIM)
    return _mlp(h, W0.T, b0, g0, be0, W1.T, b1, g1, be1, W2.T, b2, g2, be2,
                Wout.T, bout)

# --- scband reference (transcript-rebuilt; emitter-appended) ---
"""Pipeline reference for scband-embedding-model-81698867904570 (READ-ONLY COPY).

The authoritative reference and input builder live on the scoring server;
editing this copy changes nothing except your own understanding.
"""

import jax, jax.numpy as jnp
import numpy as np

B, F, V, D = 16384, 26, 100000, 32
IN_DIM = F * D  # 832
LAYERS = [1024, 512, 256]
OUT_DIM = 1
EPS = 1e-5


def setup_inputs(seed: int = 0) -> dict:
    key = jax.random.key(seed)
    ks = jax.random.split(key, 32)
    x = jax.random.randint(ks[0], (B, F), 0, V, dtype=jnp.int32)
    sc = 2.0 / (D + 1)
    emb_tables = jax.random.uniform(ks[1], (F, V, D), dtype=jnp.float32, minval=-sc, maxval=sc)
    dims = [IN_DIM] + LAYERS
    inp = {"x": x, "emb_tables": emb_tables}
    ki = 2
    for i in range(len(LAYERS)):
        fan_in = dims[i]
        inp["W%d" % i] = jax.random.normal(ks[ki], (dims[i + 1], fan_in), dtype=jnp.float32) * np.sqrt(2.0 / fan_in); ki += 1
        inp["b%d" % i] = jnp.zeros((dims[i + 1],), dtype=jnp.float32)
        inp["g%d" % i] = jnp.ones((dims[i + 1],), dtype=jnp.float32)
        inp["be%d" % i] = jnp.zeros((dims[i + 1],), dtype=jnp.float32)
    inp["Wout"] = jax.random.normal(ks[ki], (OUT_DIM, LAYERS[-1]), dtype=jnp.float32) * np.sqrt(2.0 / LAYERS[-1])
    inp["bout"] = jnp.zeros((OUT_DIM,), dtype=jnp.float32)
    return inp


def reference(x, emb_tables, W0, b0, g0, be0, W1, b1, g1, be1, W2, b2, g2, be2, Wout, bout):
    # embedding lookups: one table per sparse field, concatenated along feature dim
    field_idx = jnp.arange(F, dtype=jnp.int32)[None, :]  # [1, F]
    gathered = emb_tables[field_idx, x]  # [B, F, D] via gather
    h = gathered.reshape(B, F * D)  # torch.cat(lkups, 1)
    # dropout layers are identity in eval mode
    params = [(W0, b0, g0, be0), (W1, b1, g1, be1), (W2, b2, g2, be2)]
    for (W, b, g, be) in params:
        h = h @ W.T + b
        h = jax.nn.relu(h)
        # BatchNorm1d in eval mode with running_mean=0, running_var=1
        h = (h / jnp.sqrt(1.0 + EPS)) * g + be
    out = h @ Wout.T + bout
    out = jax.nn.sigmoid(out)  # output_dim == 1
    return out

if __name__ == "__main__":
    import jax
    _d = setup_inputs()
    print(jax.jit(kernel)(*tuple(_d.values())))

</pallas_src>

<mosaic_0001>
#map = affine_map<(d0, d1) -> (0)>
#map1 = affine_map<(d0, d1) -> (0, 0)>
module attributes {stable_mosaic.version = 14 : i64} {
  func.func @_gather_body(%arg0: i32, %arg1: i32, %arg2: memref<425984xi32, #tpu.memory_space<hbm>>, %arg3: memref<2600000x32xf32, #tpu.memory_space<hbm>>, %arg4: memref<425984x32xf32, #tpu.memory_space<hbm>>, %arg5: memref<1664xi32, #tpu.memory_space<vmem>>, %arg6: memref<1664x32xf32, #tpu.memory_space<vmem>>, %arg7: memref<!tpu.dma_semaphore, #tpu.memory_space<semaphore_mem>>) attributes {dimension_semantics = [#tpu.dimension_semantics<core_parallel>, #tpu.dimension_semantics<subcore_parallel>], iteration_bounds = array<i64: 2, 16>, scalar_prefetch = 0 : i64, scratch_operands = 3 : i64, tpu.core_type = #tpu.core_type<sc_vector_subcore>, window_params = [{transform_indices = #map}, {transform_indices = #map1}, {transform_indices = #map1}]} {
    %mul3A = arith.constant 2 : i32
    %mul3A_0 = arith.muli %arg1, %mul3A : i32
    %add3A = arith.addi %mul3A_0, %arg0 : i32
    %mul3A_1 = arith.constant 13312 : i32
    %mul3A_2 = arith.muli %add3A, %mul3A_1 : i32
    %scan3A = arith.constant 0 : i32
    %scan3A_3 = arith.constant 0 : i32
    %scan3A_4 = arith.constant 8 : i32
    %scan3A_5 = arith.addi %scan3A_3, %scan3A_4 : i32
    %scan3A_6 = arith.constant 1 : i32
    scf.for %scan3A_8 = %scan3A_3 to %scan3A_5 step %scan3A_6  : i32 {
      %mul3A_9 = arith.constant 1664 : i32
      %mul3A_10 = arith.muli %scan3A_8, %mul3A_9 : i32
      %add3A_11 = arith.addi %mul3A_2, %mul3A_10 : i32
      "tpu.region"() ({
        %run_scoped3A = tpu.sem_alloc : memref<!tpu.dma_semaphore, #tpu.memory_space<semaphore_mem>>
        %dma_start3A_16 = tpu.memref_slice %arg2[%add3A_11] : memref<425984xi32, #tpu.memory_space<hbm>> -> memref<1664xi32, #tpu.memory_space<hbm>>
        %dma_start3A_17 = tpu.memref_slice %arg2[%add3A_11] : memref<425984xi32, #tpu.memory_space<hbm>> -> memref<1664xi32, #tpu.memory_space<hbm>>
        tpu.enqueue_dma source(%dma_start3A_17 : memref<1664xi32, #tpu.memory_space<hbm>>) target(%arg5 : memref<1664xi32, #tpu.memory_space<vmem>>) target_semaphore(%run_scoped3A : memref<!tpu.dma_semaphore, #tpu.memory_space<semaphore_mem>>)
        %dma_wait3A_18 = tpu.memref_slice %arg2[%add3A_11] : memref<425984xi32, #tpu.memory_space<hbm>> -> memref<1664xi32, #tpu.memory_space<hbm>>
        %dma_wait3A_19 = tpu.memref_slice %arg2[%add3A_11] : memref<425984xi32, #tpu.memory_space<hbm>> -> memref<1664xi32, #tpu.memory_space<hbm>>
        tpu.wait_dma2 semaphore(%run_scoped3A : memref<!tpu.dma_semaphore, #tpu.memory_space<semaphore_mem>>) src(%dma_wait3A_19 : memref<1664xi32, #tpu.memory_space<hbm>>) dst(%arg5 : memref<1664xi32, #tpu.memory_space<vmem>>)
        tpu.yield
      }) : () -> ()
      %dma_start3A = arith.constant 0 : i32
      %dma_start3A_12 = arith.constant 0 : i32
      %dma_start3A_13 = tpu.memref_slice %arg3[%dma_start3A, %dma_start3A_12] : memref<2600000x32xf32, #tpu.memory_space<hbm>> -> memref<2600000x32xf32, #tpu.memory_space<hbm>>
      tpu.enqueue_indirect_dma source(%dma_start3A_13 : memref<2600000x32xf32, #tpu.memory_space<hbm>>) target(%arg6 : memref<1664x32xf32, #tpu.memory_space<vmem>>) offsets(%arg5 : memref<1664xi32, #tpu.memory_space<vmem>>) semaphore(%arg7 : memref<!tpu.dma_semaphore, #tpu.memory_space<semaphore_mem>>)
      %dma_wait3A = arith.constant 0 : i32
      %dma_wait3A_14 = arith.constant 0 : i32
      %dma_wait3A_15 = tpu.memref_slice %arg3[%dma_wait3A, %dma_wait3A_14] : memref<2600000x32xf32, #tpu.memory_space<hbm>> -> memref<2600000x32xf32, #tpu.memory_space<hbm>>
      tpu.wait_indirect_dma semaphore(%arg7 : memref<!tpu.dma_semaphore, #tpu.memory_space<semaphore_mem>>) src(%dma_wait3A_15 : memref<2600000x32xf32, #tpu.memory_space<hbm>>) dst(%arg6 : memref<1664x32xf32, #tpu.memory_space<vmem>>)
      "tpu.region"() ({
        %run_scoped3A = tpu.sem_alloc : memref<!tpu.dma_semaphore, #tpu.memory_space<semaphore_mem>>
        %dma_start3A_16 = arith.constant 0 : i32
        %dma_start3A_17 = tpu.memref_slice %arg4[%add3A_11, %dma_start3A_16] : memref<425984x32xf32, #tpu.memory_space<hbm>> -> memref<1664x32xf32, #tpu.memory_space<hbm>>
        %dma_start3A_18 = arith.constant 0 : i32
        %dma_start3A_19 = tpu.memref_slice %arg4[%add3A_11, %dma_start3A_18] : memref<425984x32xf32, #tpu.memory_space<hbm>> -> memref<1664x32xf32, #tpu.memory_space<hbm>>
        tpu.enqueue_dma source(%arg6 : memref<1664x32xf32, #tpu.memory_space<vmem>>) target(%dma_start3A_19 : memref<1664x32xf32, #tpu.memory_space<hbm>>) target_semaphore(%run_scoped3A : memref<!tpu.dma_semaphore, #tpu.memory_space<semaphore_mem>>)
        %dma_wait3A_20 = arith.constant 0 : i32
        %dma_wait3A_21 = tpu.memref_slice %arg4[%add3A_11, %dma_wait3A_20] : memref<425984x32xf32, #tpu.memory_space<hbm>> -> memref<1664x32xf32, #tpu.memory_space<hbm>>
        %dma_wait3A_22 = arith.constant 0 : i32
        %dma_wait3A_23 = tpu.memref_slice %arg4[%add3A_11, %dma_wait3A_22] : memref<425984x32xf32, #tpu.memory_space<hbm>> -> memref<1664x32xf32, #tpu.memory_space<hbm>>
        tpu.wait_dma2 semaphore(%run_scoped3A : memref<!tpu.dma_semaphore, #tpu.memory_space<semaphore_mem>>) src(%arg6 : memref<1664x32xf32, #tpu.memory_space<vmem>>) dst(%dma_wait3A_23 : memref<1664x32xf32, #tpu.memory_space<hbm>>)
        tpu.yield
      }) : () -> ()
    }
    %scan3A_7 = arith.constant 8 : i32
    return
  }
}

module attributes {stable_mosaic.version = 14 : i64} {
  func.func @_mlp_body(%arg0: i32, %arg1: memref<1024x832xf32, #tpu.memory_space<vmem>>, %arg2: memref<832x1024xf32, #tpu.memory_space<vmem>>, %arg3: memref<1024xf32, #tpu.memory_space<vmem>>, %arg4: memref<1024xf32, #tpu.memory_space<vmem>>, %arg5: memref<1024xf32, #tpu.memory_space<vmem>>, %arg6: memref<1024x512xf32, #tpu.memory_space<vmem>>, %arg7: memref<512xf32, #tpu.memory_space<vmem>>, %arg8: memref<512xf32, #tpu.memory_space<vmem>>, %arg9: memref<512xf32, #tpu.memory_space<vmem>>, %arg10: memref<512x256xf32, #tpu.memory_space<vmem>>, %arg11: memref<256xf32, #tpu.memory_space<vmem>>, %arg12: memref<256xf32, #tpu.memory_space<vmem>>, %arg13: memref<256xf32, #tpu.memory_space<vmem>>, %arg14: memref<256x1xf32, #tpu.memory_space<vmem>>, %arg15: memref<1xf32, #tpu.memory_space<vmem>>, %arg16: memref<1024x1xf32, #tpu.memory_space<vmem>>) attributes {dimension_semantics = [#tpu.dimension_semantics<arbitrary>], iteration_bounds = array<i64: 16>, scalar_prefetch = 0 : i64, scratch_operands = 0 : i64, tpu.core_type = #tpu.core_type<tc>, window_params = [{transform_indices = @transform_0, window_bounds = array<i64: 1024, 832>}, {pipeline_mode = #tpu.pipeline_mode<synchronous>, transform_indices = @transform_1, window_bounds = array<i64: 832, 1024>}, {pipeline_mode = #tpu.pipeline_mode<synchronous>, transform_indices = @transform_2, window_bounds = array<i64: 1024>}, {pipeline_mode = #tpu.pipeline_mode<synchronous>, transform_indices = @transform_3, window_bounds = array<i64: 1024>}, {pipeline_mode = #tpu.pipeline_mode<synchronous>, transform_indices = @transform_4, window_bounds = array<i64: 1024>}, {pipeline_mode = #tpu.pipeline_mode<synchronous>, transform_indices = @transform_5, window_bounds = array<i64: 1024, 512>}, {pipeline_mode = #tpu.pipeline_mode<synchronous>, transform_indices = @transform_6, window_bounds = array<i64: 512>}, {pipeline_mode = #tpu.pipeline_mode<synchronous>, transform_indices = @transform_7, window_bounds = array<i64: 512>}, {pipeline_mode = #tpu.pipeline_mode<synchronous>, transform_indices = @transform_8, window_bounds = array<i64: 512>}, {pipeline_mode = #tpu.pipeline_mode<synchronous>, transform_indices = @transform_9, window_bounds = array<i64: 512, 256>}, {pipeline_mode = #tpu.pipeline_mode<synchronous>, transform_indices = @transform_10, window_bounds = array<i64: 256>}, {pipeline_mode = #tpu.pipeline_mode<synchronous>, transform_indices = @transform_11, window_bounds = array<i64: 256>}, {pipeline_mode = #tpu.pipeline_mode<synchronous>, transform_indices = @transform_12, window_bounds = array<i64: 256>}, {pipeline_mode = #tpu.pipeline_mode<synchronous>, transform_indices = @transform_13, window_bounds = array<i64: 256, 1>}, {pipeline_mode = #tpu.pipeline_mode<synchronous>, transform_indices = @transform_14, window_bounds = array<i64: 1>}, {transform_indices = @transform_15, window_bounds = array<i64: 1024, 1>}]} {
    %get3A = arith.constant 0 : index
    %get3A_0 = arith.constant 0 : index
    %get3A_1 = vector.load %arg1[%get3A, %get3A_0] : memref<1024x832xf32, #tpu.memory_space<vmem>>, vector<1024x832xf32>
    %get3A_2 = arith.constant 0 : index
    %get3A_3 = arith.constant 0 : index
    %get3A_4 = vector.load %arg2[%get3A_2, %get3A_3] : memref<832x1024xf32, #tpu.memory_space<vmem>>, vector<832x1024xf32>
    %dot_general3A = arith.constant dense<0.000000e+00> : vector<1024x1024xf32>
    %dot_general3A_5 = tpu.matmul %get3A_1, %get3A_4, %dot_general3A {dimension_numbers = #tpu.dot_dimension_numbers<[1], [0], [0], [1], [0, 0, 1, 1], [], []>, transpose_lhs_hint = false} : vector<1024x832xf32>, vector<832x1024xf32>, vector<1024x1024xf32> -> vector<1024x1024xf32>
    %get3A_6 = arith.constant 0 : index
    %get3A_7 = vector.load %arg3[%get3A_6] : memref<1024xf32, #tpu.memory_space<vmem>>, vector<1024xf32>
    %broadcast_in_dim3A = vector.shape_cast %get3A_7 : vector<1024xf32> to vector<1x1024xf32>
    %add3A = vector.broadcast %broadcast_in_dim3A : vector<1x1024xf32> to vector<1024x1024xf32>
    %add3A_8 = arith.addf %dot_general3A_5, %add3A : vector<1024x1024xf32>
    %max3A = arith.constant 0.000000e+00 : f32
    %max3A_9 = vector.broadcast %max3A : f32 to vector<1024x1024xf32>
    %max3A_10 = arith.maximumf %add3A_8, %max3A_9 : vector<1024x1024xf32>
    %get3A_11 = arith.constant 0 : index
    %get3A_12 = vector.load %arg4[%get3A_11] : memref<1024xf32, #tpu.memory_space<vmem>>, vector<1024xf32>
    %mul3A = arith.constant 0.999994993 : f32
    %mul3A_13 = vector.broadcast %mul3A : f32 to vector<1024xf32>
    %mul3A_14 = arith.mulf %get3A_12, %mul3A_13 : vector<1024xf32>
    %broadcast_in_dim3A_15 = vector.shape_cast %mul3A_14 : vector<1024xf32> to vector<1x1024xf32>
    %mul3A_16 = vector.broadcast %broadcast_in_dim3A_15 : vector<1x1024xf32> to vector<1024x1024xf32>
    %mul3A_17 = arith.mulf %max3A_10, %mul3A_16 : vector<1024x1024xf32>
    %get3A_18 = arith.constant 0 : index
    %get3A_19 = vector.load %arg5[%get3A_18] : memref<1024xf32, #tpu.memory_space<vmem>>, vector<1024xf32>
    %broadcast_in_dim3A_20 = vector.shape_cast %get3A_19 : vector<1024xf32> to vector<1x1024xf32>
    %add3A_21 = vector.broadcast %broadcast_in_dim3A_20 : vector<1x1024xf32> to vector<1024x1024xf32>
    %add3A_22 = arith.addf %mul3A_17, %add3A_21 : vector<1024x1024xf32>
    %get3A_23 = arith.constant 0 : index
    %get3A_24 = arith.constant 0 : index
    %get3A_25 = vector.load %arg6[%get3A_23, %get3A_24] : memref<1024x512xf32, #tpu.memory_space<vmem>>, vector<1024x512xf32>
    %dot_general3A_26 = arith.constant dense<0.000000e+00> : vector<1024x512xf32>
    %dot_general3A_27 = tpu.matmul %add3A_22, %get3A_25, %dot_general3A_26 {dimension_numbers = #tpu.dot_dimension_numbers<[1], [0], [0], [1], [0, 0, 1, 1], [], []>, transpose_lhs_hint = false} : vector<1024x1024xf32>, vector<1024x512xf32>, vector<1024x512xf32> -> vector<1024x512xf32>
    %get3A_28 = arith.constant 0 : index
    %get3A_29 = vector.load %arg7[%get3A_28] : memref<512xf32, #tpu.memory_space<vmem>>, vector<512xf32>
    %broadcast_in_dim3A_30 = vector.shape_cast %get3A_29 : vector<512xf32> to vector<1x512xf32>
    %add3A_31 = vector.broadcast %broadcast_in_dim3A_30 : vector<1x512xf32> to vector<1024x512xf32>
    %add3A_32 = arith.addf %dot_general3A_27, %add3A_31 : vector<1024x512xf32>
    %max3A_33 = arith.constant 0.000000e+00 : f32
    %max3A_34 = vector.broadcast %max3A_33 : f32 to vector<1024x512xf32>
    %max3A_35 = arith.maximumf %add3A_32, %max3A_34 : vector<1024x512xf32>
    %get3A_36 = arith.constant 0 : index
    %get3A_37 = vector.load %arg8[%get3A_36] : memref<512xf32, #tpu.memory_space<vmem>>, vector<512xf32>
    %mul3A_38 = arith.constant 0.999994993 : f32
    %mul3A_39 = vector.broadcast %mul3A_38 : f32 to vector<512xf32>
    %mul3A_40 = arith.mulf %get3A_37, %mul3A_39 : vector<512xf32>
    %broadcast_in_dim3A_41 = vector.shape_cast %mul3A_40 : vector<512xf32> to vector<1x512xf32>
    %mul3A_42 = vector.broadcast %broadcast_in_dim3A_41 : vector<1x512xf32> to vector<1024x512xf32>
    %mul3A_43 = arith.mulf %max3A_35, %mul3A_42 : vector<1024x512xf32>
    %get3A_44 = arith.constant 0 : index
    %get3A_45 = vector.load %arg9[%get3A_44] : memref<512xf32, #tpu.memory_space<vmem>>, vector<512xf32>
    %broadcast_in_dim3A_46 = vector.shape_cast %get3A_45 : vector<512xf32> to vector<1x512xf32>
    %add3A_47 = vector.broadcast %broadcast_in_dim3A_46 : vector<1x512xf32> to vector<1024x512xf32>
    %add3A_48 = arith.addf %mul3A_43, %add3A_47 : vector<1024x512xf32>
    %get3A_49 = arith.constant 0 : index
    %get3A_50 = arith.constant 0 : index
    %get3A_51 = vector.load %arg10[%get3A_49, %get3A_50] : memref<512x256xf32, #tpu.memory_space<vmem>>, vector<512x256xf32>
    %dot_general3A_52 = arith.constant dense<0.000000e+00> : vector<1024x256xf32>
    %dot_general3A_53 = tpu.matmul %add3A_48, %get3A_51, %dot_general3A_52 {dimension_numbers = #tpu.dot_dimension_numbers<[1], [0], [0], [1], [0, 0, 1, 1], [], []>, transpose_lhs_hint = false} : vector<1024x512xf32>, vector<512x256xf32>, vector<1024x256xf32> -> vector<1024x256xf32>
    %get3A_54 = arith.constant 0 : index
    %get3A_55 = vector.load %arg11[%get3A_54] : memref<256xf32, #tpu.memory_space<vmem>>, vector<256xf32>
    %broadcast_in_dim3A_56 = vector.shape_cast %get3A_55 : vector<256xf32> to vector<1x256xf32>
    %add3A_57 = vector.broadcast %broadcast_in_dim3A_56 : vector<1x256xf32> to vector<1024x256xf32>
    %add3A_58 = arith.addf %dot_general3A_53, %add3A_57 : vector<1024x256xf32>
    %max3A_59 = arith.constant 0.000000e+00 : f32
    %max3A_60 = vector.broadcast %max3A_59 : f32 to vector<1024x256xf32>
    %max3A_61 = arith.maximumf %add3A_58, %max3A_60 : vector<1024x256xf32>
    %get3A_62 = arith.constant 0 : index
    %get3A_63 = vector.load %arg12[%get3A_62] : memref<256xf32, #tpu.memory_space<vmem>>, vector<256xf32>
    %mul3A_64 = arith.constant 0.999994993 : f32
    %mul3A_65 = vector.broadcast %mul3A_64 : f32 to vector<256xf32>
    %mul3A_66 = arith.mulf %get3A_63, %mul3A_65 : vector<256xf32>
    %broadcast_in_dim3A_67 = vector.shape_cast %mul3A_66 : vector<256xf32> to vector<1x256xf32>
    %mul3A_68 = vector.broadcast %broadcast_in_dim3A_67 : vector<1x256xf32> to vector<1024x256xf32>
    %mul3A_69 = arith.mulf %max3A_61, %mul3A_68 : vector<1024x256xf32>
    %get3A_70 = arith.constant 0 : index
    %get3A_71 = vector.load %arg13[%get3A_70] : memref<256xf32, #tpu.memory_space<vmem>>, vector<256xf32>
    %broadcast_in_dim3A_72 = vector.shape_cast %get3A_71 : vector<256xf32> to vector<1x256xf32>
    %add3A_73 = vector.broadcast %broadcast_in_dim3A_72 : vector<1x256xf32> to vector<1024x256xf32>
    %add3A_74 = arith.addf %mul3A_69, %add3A_73 : vector<1024x256xf32>
    %get3A_75 = arith.constant 0 : index
    %get3A_76 = arith.constant 0 : index
    %get3A_77 = vector.load %arg14[%get3A_75, %get3A_76] : memref<256x1xf32, #tpu.memory_space<vmem>>, vector<256x1xf32>
    %dot_general3A_78 = arith.constant dense<0.000000e+00> : vector<1024x1xf32>
    %dot_general3A_79 = tpu.matmul %add3A_74, %get3A_77, %dot_general3A_78 {dimension_numbers = #tpu.dot_dimension_numbers<[1], [0], [0], [1], [0, 0, 1, 1], [], []>, transpose_lhs_hint = false} : vector<1024x256xf32>, vector<256x1xf32>, vector<1024x1xf32> -> vector<1024x1xf32>
    %get3A_80 = arith.constant 0 : index
    %get3A_81 = vector.load %arg15[%get3A_80] : memref<1xf32, #tpu.memory_space<vmem>>, vector<1xf32>
    %broadcast_in_dim3A_82 = vector.shape_cast %get3A_81 : vector<1xf32> to vector<1x1xf32>
    %add3A_83 = vector.broadcast %broadcast_in_dim3A_82 : vector<1x1xf32> to vector<1024x1xf32>
    %add3A_84 = arith.addf %dot_general3A_79, %add3A_83 : vector<1024x1xf32>
    %logistic3A = arith.negf %add3A_84 : vector<1024x1xf32>
    %logistic3A_85 = math.exp %logistic3A : vector<1024x1xf32>
    %logistic3A_86 = arith.constant 1.000000e+00 : f32
    %logistic3A_87 = vector.broadcast %logistic3A_86 : f32 to vector<1024x1xf32>
    %logistic3A_88 = arith.addf %logistic3A_87, %logistic3A_85 : vector<1024x1xf32>
    %logistic3A_89 = arith.divf %logistic3A_87, %logistic3A_88 : vector<1024x1xf32>
    %swap3A = arith.constant 0 : index
    %swap3A_90 = arith.constant 0 : index
    %swap3A_91 = vector.load %arg16[%swap3A, %swap3A_90] : memref<1024x1xf32, #tpu.memory_space<vmem>>, vector<1024x1xf32>
    tpu.vector_store %arg16[%swap3A, %swap3A_90], %logistic3A_89 {strides = array<i32>} : memref<1024x1xf32, #tpu.memory_space<vmem>>, vector<1024x1xf32>,
    return
  }
  func.func @transform_0(%arg0: i32) -> (i32, i32) {
    %c0_i32 = arith.constant 0 : i32
    %c0_i32_0 = arith.constant 0 : i32
    return %arg0, %c0_i32 : i32, i32
  }
  func.func @transform_1(%arg0: i32) -> (i32, i32) {
    %c0_i32 = arith.constant 0 : i32
    %c0_i32_0 = arith.constant 0 : i32
    %c0_i32_1 = arith.constant 0 : i32
    return %c0_i32, %c0_i32_0 : i32, i32
  }
  func.func @transform_2(%arg0: i32) -> i32 {
    %c0_i32 = arith.constant 0 : i32
    %c0_i32_0 = arith.constant 0 : i32
    return %c0_i32 : i32
  }
  func.func @transform_3(%arg0: i32) -> i32 {
    %c0_i32 = arith.constant 0 : i32
    %c0_i32_0 = arith.constant 0 : i32
    return %c0_i32 : i32
  }
  func.func @transform_4(%arg0: i32) -> i32 {
    %c0_i32 = arith.constant 0 : i32
    %c0_i32_0 = arith.constant 0 : i32
    return %c0_i32 : i32
  }
  func.func @transform_5(%arg0: i32) -> (i32, i32) {
    %c0_i32 = arith.constant 0 : i32
    %c0_i32_0 = arith.constant 0 : i32
    %c0_i32_1 = arith.constant 0 : i32
    return %c0_i32, %c0_i32_0 : i32, i32
  }
  func.func @transform_6(%arg0: i32) -> i32 {
    %c0_i32 = arith.constant 0 : i32
    %c0_i32_0 = arith.constant 0 : i32
    return %c0_i32 : i32
  }
  func.func @transform_7(%arg0: i32) -> i32 {
    %c0_i32 = arith.constant 0 : i32
    %c0_i32_0 = arith.constant 0 : i32
    return %c0_i32 : i32
  }
  func.func @transform_8(%arg0: i32) -> i32 {
    %c0_i32 = arith.constant 0 : i32
    %c0_i32_0 = arith.constant 0 : i32
    return %c0_i32 : i32
  }
  func.func @transform_9(%arg0: i32) -> (i32, i32) {
    %c0_i32 = arith.constant 0 : i32
    %c0_i32_0 = arith.constant 0 : i32
    %c0_i32_1 = arith.constant 0 : i32
    return %c0_i32, %c0_i32_0 : i32, i32
  }
  func.func @transform_10(%arg0: i32) -> i32 {
    %c0_i32 = arith.constant 0 : i32
    %c0_i32_0 = arith.constant 0 : i32
    return %c0_i32 : i32
  }
  func.func @transform_11(%arg0: i32) -> i32 {
    %c0_i32 = arith.constant 0 : i32
    %c0_i32_0 = arith.constant 0 : i32
    return %c0_i32 : i32
  }
  func.func @transform_12(%arg0: i32) -> i32 {
    %c0_i32 = arith.constant 0 : i32
    %c0_i32_0 = arith.constant 0 : i32
    return %c0_i32 : i32
  }
  func.func @transform_13(%arg0: i32) -> (i32, i32) {
    %c0_i32 = arith.constant 0 : i32
    %c0_i32_0 = arith.constant 0 : i32
    %c0_i32_1 = arith.constant 0 : i32
    return %c0_i32, %c0_i32_0 : i32, i32
  }
  func.func @transform_14(%arg0: i32) -> i32 {
    %c0_i32 = arith.constant 0 : i32
    %c0_i32_0 = arith.constant 0 : i32
    return %c0_i32 : i32
  }
  func.func @transform_15(%arg0: i32) -> (i32, i32) {
    %c0_i32 = arith.constant 0 : i32
    %c0_i32_0 = arith.constant 0 : i32
    return %arg0, %c0_i32 : i32, i32
  }
}

</mosaic_0001>

<sc_bundles>
// kernel: kernel.4.cloned.1.call-start
scs
__scs_entry_jumppad:
0x0: {  	(pc) =	sbr.rel $0x88, $3  }
0x1: {  	(tag) =	ssettag $0x0;
	lr =	simm.s32 $0x1  }
0x2: {  	[smem:$0x3F91] =	sst lr;
	_ =	strace $0xD0000000  }
0x3: {  	_ = 	snop  }
0x4: {  	_ = 	snop  }
0x5: {  	_ = 	snop  }
0x6: {  	_ = 	snop  }
0x7: {  	_ = 	snop  }
__scs_overlays_trampoline_lowered:
0x8: {  	[smem:$0x3FA0] =	sst s0  }
0x9: {  	[smem:$0x3FA1] =	sst s1  }
0xa: {  	[smem:$0x3FA2] =	sst s2  }
0xb: {  	[smem:$0x3FA3] =	sst s3  }
0xc: {  	[smem:$0x3FA4] =	sst s4  }
0xd: {  	[smem:$0x3FA5] =	sst s5  }
0xe: {  	[smem:$0x3FA6] =	sst s6  }
0xf: {  	[smem:$0x3FA7] =	sst s7  }
0x10: {  	[smem:$0x3FA8] =	sst s8  }
0x11: {  	[smem:$0x3FA9] =	sst s9;
	s0 =	simm.s32 @!p0 $0x0  }
0x12: {  	s1 =	sld [smem:$0x3F8F];
	s0 =	simm.s32 @p0 $0x1  }
0x13: {  	[smem:$0x3FAA] =	sst s0;
	s0 =	simm.s32 @!p1 $0x0  }
0x14: {  	s2 =	sld [smem:$0x3F8E];
	s0 =	simm.s32 @p1 $0x1  }
0x15: {  	[smem:$0x3FAB] =	sst s0;
	s0 =	simm.s32 @!p2 $0x0  }
0x16: {  	s3 =	sld [smem:$0x3FDB];
	s0 =	simm.s32 @p2 $0x1  }
0x17: {  	s4 =	simm.s32 $0x1BF5;
	[smem:$0x3FAD] =	sst s0  }
0x18: {  	s0 =	sld [smem:$0x3F90];
	_ =	swait.ge [sflag:s4], $0x0  }
0x19: {  	s7 =	sld [smem:$0x3F91]  }
0x1a: {  	s8 =	sadd.s32 $0xFFFFE003, lr  }
0x1b: {  	s9 =	sadd.s32 $0xFFFFFEF7, lr;
	s5 =	simm.s32 $0xFFFFFFFF;
	p2 =	slt.u32 s8, $0xFFFFF086  }
0x1c: {  	p1 =	slt.u32 s9, $0xF7A;
	s5 =	simm.s32 @!p2 $0x0  }
0x1d: {  	s5 =	simm.s32 @p1 $0x1;
	p0 =	seq.s32 s7, s2  }
0x1e: {  	s7 =	smul.u32 @!p0 $0xF7A, s2;
	p2 =	seq.s32 @!p0 s5, $0x0  }
0x1f: {  	s9 =	smul.u32 $0xF7A, s1;
	s8 =	simm.s32 @!p0 $0x1BF5;
	p2 =	por !p2, p0  }
0x20: {  	[sflag:s8] =	ssyncset.s32 @!p0 $0xFFFFF086;
	s6 =	sadd.s32 @!p0 s3, s7;
	s7 =	simm.s32 @!p0 $0x108  }
0x21: {  	s3 =	sadd.s32 s3, s9;
	s6 =	sadd.s32 @!p0 $0x88, s6;
	s7 =	simm.s32 @p2 $0x1082  }
0x22: {  	[simem:s7], [sflag:s8] =	dma.local @!p0 [hbm:s6], $0xF7A  }
0x23: {  	s9 =	sor.u32 $0xD0000000, s2;
	s6 =	simm.s32 $0x108;
	_ =	swait.ge @!p0 [sflag:s8], $0x0  }
0x24: {  	s3 =	sadd.s32 $0x88, s3;
	s6 =	simm.s32 @!p1 $0x1082;
	[sflag:s4] =	ssyncset.s32 $0xFFFFF086  }
0x25: {  	[simem:s6], [sflag:s4] =	dma.local [hbm:s3], $0xF7A  }
0x26: {  	[smem:$0x3F91] =	sst s1;
	(tag) =	ssettag s2;
	_ =	strace s9  }
0x27: {  	s1 =	sld [smem:$0x3FA1]  }
0x28: {  	s2 =	sld [smem:$0x3FA2]  }
0x29: {  	s4 =	sld [smem:$0x3FA4]  }
0x2a: {  	p0 =	seq.s32 s5, $0x0;
	s5 =	sld [smem:$0x3FA5]  }
0x2b: {  	s6 =	sld [smem:$0x3FA6]  }
0x2c: {  	s7 =	sld [smem:$0x3FA7]  }
0x2d: {  	s3 =	simm.s32 $0x108;
	s8 =	sld [smem:$0x3FA8]  }
0x2e: {  	s3 =	simm.s32 @!p0 $0x1082;
	s9 =	sld [smem:$0x3FA9]  }
0x2f: {  	lr =	sadd.s32 s0, s3;
	s0 =	sld [smem:$0x3FA0]  }
0x30: {  	s3 =	sld [smem:$0x3FA3]  }
0x31: {  	[smem:$0x3FAC] =	sst s10  }
0x32: {  	s10 =	sld [smem:$0x3FAA];
	_ =	sdelay $0x3  }
0x33: {  	p0 =	seq.s32 s10, $0x1;
	s10 =	sld [smem:$0x3FAC];
	_ =	sdelay $0x3  }
0x34: {  	[smem:$0x3FAC] =	sst s10  }
0x35: {  	s10 =	sld [smem:$0x3FAB];
	_ =	sdelay $0x3  }
0x36: {  	p1 =	seq.s32 s10, $0x1;
	s10 =	sld [smem:$0x3FAC];
	_ =	sdelay $0x3  }
0x37: {  	[smem:$0x3FAC] =	sst s10  }
0x38: {  	s10 =	sld [smem:$0x3FAD]  }
0x39: {  	_ = 	snop;
	(pc) =	sbr.ind lr, $3  }
0x3a: {  	_ = 	snop  }
0x3b: {  	_ = 	snop  }
0x3c: {  	p2 =	seq.s32 s10, $0x1;
	s10 =	sld [smem:$0x3FAC]  }
0x3d: {  	_ =	shalt  }
0x3e: {  	_ =	shalt  }
0x3f: {  	_ =	shalt  }
0x40: {  	_ =	shalt  }
0x41: {  	_ =	shalt  }
0x42: {  	_ =	shalt  }
0x43: {  	_ =	shalt  }
0x44: {  	_ =	shalt  }
0x45: {  	_ =	shalt  }
0x46: {  	_ =	shalt  }
0x47: {  	_ =	shalt  }
0x48: {  	_ =	shalt  }
0x49: {  	_ =	shalt  }
0x4a: {  	_ =	shalt  }
0x4b: {  	_ =	shalt  }
0x4c: {  	_ =	shalt  }
0x4d: {  	_ =	shalt  }
0x4e: {  	_ =	shalt  }
0x4f: {  	_ =	shalt  }
0x50: {  	_ =	shalt  }
0x51: {  	_ =	shalt  }
0x52: {  	_ =	shalt  }
0x53: {  	_ =	shalt  }
0x54: {  	_ =	shalt  }
0x55: {  	_ =	shalt  }
0x56: {  	_ =	shalt  }
0x57: {  	_ =	shalt  }
0x58: {  	_ =	shalt  }
0x59: {  	_ =	shalt  }
0x5a: {  	_ =	shalt  }
0x5b: {  	_ =	shalt  }
0x5c: {  	_ =	shalt  }
0x5d: {  	_ =	shalt  }
0x5e: {  	_ =	shalt  }
0x5f: {  	_ =	shalt  }
0x60: {  	_ =	shalt  }
0x61: {  	_ =	shalt  }
0x62: {  	_ =	shalt  }
0x63: {  	_ =	shalt  }
0x64: {  	_ =	shalt  }
0x65: {  	_ =	shalt  }
0x66: {  	_ =	shalt  }
0x67: {  	_ =	shalt  }
0x68: {  	_ =	shalt  }
0x69: {  	_ =	shalt  }
0x6a: {  	_ =	shalt  }
0x6b: {  	_ =	shalt  }
0x6c: {  	_ =	shalt  }
0x6d: {  	_ =	shalt  }
0x6e: {  	_ =	shalt  }
0x6f: {  	_ =	shalt  }
0x70: {  	_ =	shalt  }
0x71: {  	_ =	shalt  }
0x72: {  	_ =	shalt  }
0x73: {  	_ =	shalt  }
0x74: {  	_ =	shalt  }
0x75: {  	_ =	shalt  }
0x76: {  	_ =	shalt  }
0x77: {  	_ =	shalt  }
0x78: {  	_ =	shalt  }
0x79: {  	_ =	shalt  }
0x7a: {  	_ =	shalt  }
0x7b: {  	_ =	shalt  }
0x7c: {  	_ =	shalt  }
0x7d: {  	_ =	shalt  }
0x7e: {  	_ =	shalt  }
0x7f: {  	_ =	shalt  }
0x80: {  	_ =	shalt  }
0x81: {  	_ =	shalt  }
0x82: {  	_ =	shalt  }
0x83: {  	_ =	shalt  }
0x84: {  	_ =	shalt  }
0x85: {  	_ =	shalt  }
0x86: {  	_ =	shalt  }
0x87: {  	_ =	shalt  }
.Lfunc_end0:
.L_simem_size_0:
called_computation_lowered:
.L_overlay_start_0:
0x88: {  	s2 =	sld [smem:$0x3FD9]  }
0x89: {  	s3 =	sld [smem:$0x3FFE];
	_ =	sdelay $0x1  }
0x8a: {  	s1 =	srdreg.scid  }
0x8b: {  	s0 =	sand.u32 $0x1, s1  }
0x8c: {  	s16 =	sshll.u32 s0, $0xA;
	s2 =	sadd.s32 s3, s2  }
0x8d: {  	s2 =	sadd.s32 s2, s16  }
0x8e: {  	[smem:$0x3FB8] =	sst s2  }
0x8f: {  	_ = 	snop  }
0x90: {  	(tm) =	ssettm $0x1  }
0x91: {  	s17 =	sld [smem:$0x3FFB];
	_ =	sdelay $0x3  }
0x92: {  	_ =	strace s17  }
0x93: {  	s2 =	sld [smem:$0x3FFC];
	_ =	sdelay $0x3  }
0x94: {  	_ =	strace s2  }
0x95: {  	s2 =	sld [smem:$0x3FFD];
	_ =	sdelay $0x3  }
0x96: {  	_ =	strace s2  }
0x97: {  	_ =	strace $0x8FFFFFFF  }
0x98: {  	s18 =	sld [smem:$0x3FDB];
	_ =	sdelay $0x1  }
0x99: {  	s19 =	simm.s32 $_scs_section_size  }
0x9a: {  	s4 =	simm.s32 $_size__tile_overlayer_lowered;
	s5 =	simm.s32 $_tile_overlayer_lowered  }
0x9b: {  	s22 =	simm.s32 $0x1BFF;
	s21 =	sshll.u32 s5, $0x1;
	s2 =	sadd.s32 s19, s18  }
0x9c: {  	s6 =	simm.s32 $0x0;
	s20 =	sshll.u32 s4, $0x1;
	s4 =	sadd.s32 s21, s2  }
0x9d: {  	[timem:s6], [sflag:s22] =	dma.local [hbm:s4], s20  }
0x9e: {  	_ =	swait.ge [sflag:s22], s20  }
0x9f: {  	s3 =	ssub.s32 $0x0, s20;
	[sflag:s22] =	ssyncset.done $0x0  }
0xa0: {  	[sflag:s22] =	ssyncadd.s32 s3;
	_ =	sdelay $0x1  }
0xa1: {  	s23 =	simm.s32 $0x1B8B  }
0xa2: {  	_ =	swait.ge [sflag:s23], $0x1  }
0xa3: {  	[sflag:s23] =	ssyncset.done $0x0  }
0xa4: {  	s25 =	simm.s32 $0x1B8E;
	s24 =	sld [smem:$0x3FFE];
	[sflag:s23] =	ssyncadd.s32 $0xFFFFFFFF  }
0xa5: {  	s26 =	simm.s32 $execute0_lowered;
	[smem:$0x3FD2] =	sst s25  }
0xa6: {  	s4 =	sshll.u32 s26, $0x1;
	_ =	strace $0x80000046;
	[dreg:$0x1] =	wrdreg $0xFFFFFFFF  }
0xa7: {  	s28 =	simm.s32 $_size_execute0_lowered;
	s2 =	sadd.s32 s2, s4;
	[dreg:$0x0] =	wrdreg $0x0  }
0xa8: {  	s4 =	sshll.u32 s28, $0x1;
	[dreg:$0x2] =	wrdreg s2  }
0xa9: {  	[dreg:$0x3] =	wrdreg s4  }
0xaa: {  	[dreg:$0x4] =	wrdreg $0xC0  }
0xab: {  	_ =	task [dreg:s6], $0x5FFFF  }
0xac: {  	[dreg:$0x1] =	wrdreg $0xFFFFFFFF  }
0xad: {  	[dreg:$0x0] =	wrdreg $0x60  }
0xae: {  	[dreg:$0x2] =	wrdreg s24  }
0xaf: {  	[dreg:$0x3] =	wrdreg $0x9  }
0xb0: {  	_ =	task.clear_ibuf [dreg:s6], $0x4FFFF;
	_ =	strace $0x90000046  }
0xb1: {  	s29 =	simm.s32 $0x9;
	_ =	strace $0x80000048  }
0xb2: {  	_ =	swait.ge [sflag:s29], $0x1  }
0xb3: {  	[sflag:s29] =	ssyncadd.s32 $0xFFFFFFFF  }
0xb4: {  	_ =	strace $0x90000048  }
0xb5: {  	_ =	sfence  }
0xb6: {  	s30 =	sld [smem:$0x0];
	_ =	sdelay $0x2  }
0xb7: {  	s31 =	sshll.u32 s1, $0xD;
	s1 =	sshrl.u32 s1, $0x2  }
0xb8: {  	s3 =	sand.u32 $0x4000, s31;
	s1 =	sadd.s32 s1, s30  }
0xb9: {  	s0 =	sor.u32 s3, s0;
	s1 =	sshll.u32 s1, $0x11  }
0xba: {  	s0 =	sor.u32 s1, s0  }
0xbb: {  	s0 =	sadd.s32 $0x8F2B, s0  }
0xbc: {  	[sflag:s0] =	ssyncadd.remote.s32 $0x1  }
0xbd: {  	_ =	sfence.sel $0xFFFF  }
0xbe: {  	[dreg:$0x0] =	wrdreg $0xFFFFFFFF;
	(pc) =	sbr.abs _section_cstart, $3  }
0xbf: {  	[dreg:$0x1] =	wrdreg $0xFFFFFFFF  }
0xc0: {  	_ =	task.clear_ibuf [dreg:s6], $0x2FFFF;
	_ =	strace $0x9FFFFFFF  }
0xc1: {  	(tm) =	ssettm $0x7FFFFFFF  }
tec
execute0_lowered:
.L_overlay_start_1:
0x0: {  	(tag) =	ssettag $0x1  }
0x1: {  	s3 =	rddreg [dreg:$0x0]  }
0x2: {  	s0 =	rddreg [dreg:$0x1];
	s1 =	stileid.u32  }
0x3: {  	s4 =	srdreg.scid;
	s5 =	smul.u32 $0x6800, s1  }
0x4: {  	s2 =	simm.s32 $0x0;
	s4 =	sand.u32 $0x1, s4;
	s29 =	smul.u32 $0x1A000, s1  }
0x5: {  	[smem:$0x7FF] =	sst s2;
	s6 =	smul.u32 $0x3400, s4  }
0x6: {  	_ =	strace $0x80000047;
	s7 =	ssub.s32 $0x2, s4;
	s9 =	smul.u32 $0xD000, s4  }
0x7: {  	s8 =	sshrl.u32 s7, $0x1;
	s30 =	sadd.s32 s29, s3;
	s5 =	sadd.s32 s6, s5  }
0x8: {  	s31 =	ssub.s32 s7, s8;
	s7 =	simm.s32 $0x2;
	s5 =	sshrl.u32 s5, $0x3  }
0x9: {  	s8 =	simm.s32 $0x680;
	s4 =	smax.u32 s31, $0x1;
	s10 =	sadd.s32 s5, s3  }
0xa: {  	s3 =	sadd.s32 $0x27AE600, s3;
	s5 =	sadd.s32 s9, s30;
	s9 =	simm.s32 $0x1  }
0xb: {  	s5 =	sadd.s32 $0xF200, s5;
	s6 =	sadd.s32 $0x2200, s10;
	s10 =	simm.s32 $0x0  }
.LBB2_1:
0xc: {  	s11 =	sadd.s32 $0x0, s6  }
0xd: {  	[tilespmem:s2], [sflag:$0x2] =	stream.linear.gather [hbm4b:s11+s2], $0x680, $0x38;
	[tilespmem:$0xD680] =	vst v63  }
0xe: {  	_ =	swait.ge [sflag:s7], $0x680  }
0xf: {  	[sflag:s7] =	ssyncset.done $0x0  }
0x10: {  	[sflag:s7] =	ssyncadd.s32 $0xFFFFF980  }
0x11: {  	[tilespmem:s8], [sflag:$0x1] =	stream.indirect.gather [hbm4b:s3+s8], $0x20, s2, s8, $0xb8;
	[tilespmem:$0xD680] =	vst v63  }
0x12: {  	_ =	swait.ge [sflag:s9], $0xD000  }
0x13: {  	[sflag:s9] =	ssyncset.done $0x0  }
0x14: {  	[sflag:s9] =	ssyncadd.s32 $0xFFFF3000  }
0x15: {  	[hbm4b:s5+s2] =	stream.linear.scatter [tilespmem:s8], [sflag:$0x2], $0xD000, $0x38;
	[tilespmem:$0xD680] =	vst v63  }
0x16: {  	s12 =	simm.s32 $0xD0;
	_ =	swait.ge [sflag:s7], $0xD000  }
0x17: {  	s13 =	simm.s32 $0x1A0;
	s11 =	sadd.s32 $0x1A00, s5;
	[sflag:s7] =	ssyncset.done $0x0  }
.LBB2_2:
0x18: {  	s14 =	sadd.s32 s12, s6  }
0x19: {  	[sflag:s7] =	ssyncadd.s32 $0xFFFF3000;
	s12 =	smov.u32 s13;
	s15 =	sadd.s32 $0xD0, s13  }
0x1a: {  	[tilespmem:s2], [sflag:$0x2] =	stream.linear.gather [hbm4b:s14+s2], $0x680, $0x38;
	[tilespmem:$0xD680] =	vst v63  }
0x1b: {  	p0 =	sne.s32 s13, $0x5B0;
	_ =	swait.ge [sflag:s7], $0x680  }
0x1c: {  	[sflag:s7] =	ssyncset.done $0x0  }
0x1d: {  	[sflag:s7] =	ssyncadd.s32 $0xFFFFF980  }
0x1e: {  	[tilespmem:s8], [sflag:$0x1] =	stream.indirect.gather [hbm4b:s3+s8], $0x20, s2, s8, $0xb8;
	[tilespmem:$0xD680] =	vst v63  }
0x1f: {  	_ =	swait.ge [sflag:s9], $0xD000  }
.Ltmp0:
0x20: {  	[sflag:s9] =	ssyncset.done $0x0;
	(pc) =	sbr.rel @p0 .LBB2_2-.Ltmp0, $4  }
0x21: {  	[sflag:s9] =	ssyncadd.s32 $0xFFFF3000  }
0x22: {  	[hbm4b:s11+s2] =	stream.linear.scatter [tilespmem:s8], [sflag:$0x2], $0xD000, $0x38;
	[tilespmem:$0xD680] =	vst v63  }
0x23: {  	_ =	swait.ge [sflag:s7], $0xD000  }
0x24: {  	s13 =	smov.u32 s15;
	s11 =	sadd.s32 $0x1A00, s11;
	[sflag:s7] =	ssyncset.done $0x0  }
0x25: {  	s12 =	sadd.s32 s12, s6;
	[sflag:s7] =	ssyncadd.s32 $0xFFFF3000  }
0x26: {  	[tilespmem:s2], [sflag:$0x2] =	stream.linear.gather [hbm4b:s12+s2], $0x680, $0x38;
	[tilespmem:$0xD680] =	vst v63  }
0x27: {  	_ =	swait.ge [sflag:s7], $0x680  }
0x28: {  	[sflag:s7] =	ssyncset.done $0x0  }
0x29: {  	[sflag:s7] =	ssyncadd.s32 $0xFFFFF980  }
0x2a: {  	[tilespmem:s8], [sflag:$0x1] =	stream.indirect.gather [hbm4b:s3+s8], $0x20, s2, s8, $0xb8;
	[tilespmem:$0xD680] =	vst v63  }
0x2b: {  	s10 =	sadd.s32 $0x1, s10;
	_ =	swait.ge [sflag:s9], $0xD000  }
0x2c: {  	p0 =	sne.s32 s10, s4;
	[sflag:s9] =	ssyncset.done $0x0  }
.Ltmp1:
0x2d: {  	[sflag:s9] =	ssyncadd.s32 $0xFFFF3000;
	(pc) =	sbr.rel @p0 .LBB2_1-.Ltmp1, $4  }
0x2e: {  	[hbm4b:s11+s2] =	stream.linear.scatter [tilespmem:s8], [sflag:$0x2], $0xD000, $0x38;
	[tilespmem:$0xD680] =	vst v63  }
0x2f: {  	_ =	swait.ge [sflag:s7], $0xD000  }
0x30: {  	[sflag:s7] =	ssyncset.done $0x0  }
0x31: {  	[sflag:s7] =	ssyncadd.s32 $0xFFFF3000  }
0x32: {  	_ =	sfence.sel $0x180000  }
0x33: {  	[bflag:$0x0] =	sbarrier.arrive $0xFFFF  }
0x34: {  	p0 =	sne.s32 s1, $0x0;
	_ =	strace $0x90000047  }
0x35: {  	s0 =	sadd.s32 @!p0 $0x100000, s0;
	[bflag:$0x2] =	sbarrier.arrive $0xFFFF  }
0x36: {  	[sflag:s0] =	ssyncadd.tile.s32 @!p0 $0x1;
	_ =	shalt  }
.Lfunc_end2:
_tile_overlayer_lowered:
.L_overlay_start_2:
0x37: {  	(tag) =	ssettag $0x2  }
0x38: {  	s0 =	rddreg [dreg:$0x0];
	s2 =	stileid.u32  }
0x39: {  	s1 =	rddreg [dreg:$0x1];
	p0 =	sne.s32 s2, $0x0  }
0x3a: {  	s3 =	rddreg [dreg:$0x2];
	[bflag:$0x3] =	sbarrier.arrive $0xFFFF;
	s2 =	simm.s32 @!p0 $0x1C02  }
0x3b: {  	[timem:s3], [sflag:s2] =	dma.local @!p0 [hbm:s0], s1  }
0x3c: {  	s0 =	simm.s32 @!p0 $0x2  }
0x3d: {  	_ =	swait.ge @!p0 [sflag:s0], s1  }
0x3e: {  	s1 =	ssub.s32 @!p0 $0x0, s1;
	[sflag:s0] =	ssyncset.done @!p0 $0x0  }
0x3f: {  	[sflag:s0] =	ssyncadd.s32 @!p0 s1  }
0x40: {  	[bflag:$0x3] =	sbarrier.arrive $0xFFFF  }
0x41: {  	_ =	shalt  }

</sc_bundles>
